<compile_context>
chip_gen: v7x
topology: tpu7x:2x2x1
jax: 0.10.2.dev20260603
libtpu: 0.0.44.dev20260713+nightly
codegen_flags: <defaults>
</compile_context>

<pallas_src>
import functools

import jax
import jax.numpy as jnp
from jax import lax
from jax.experimental import pallas as pl
from jax.experimental.pallas import tpu as pltpu
from jax.experimental.pallas import tpu_sc as plsc

_N_ROWS = 131072
_N_COLS = 64
_NW = 32
_ROWS_PER_W = _N_ROWS // _NW
_CHUNK_ROWS = 1024
_N_CHUNKS = _ROWS_PER_W // _CHUNK_ROWS

_PI_HI = 3.140625
_PI_LO = 9.67653589793e-4
_INV_PI = 0.3183098861837907
_HALF_PI = 1.5707963267948966

_S3 = -1.6666667163e-01
_S5 = 8.3333337680e-03
_S7 = -1.9841270114e-04
_S9 = 2.7557314297e-06


def _f(v):
    return jnp.float32(v)


def _sin_poly_sc(t):
    u = t * _f(_INV_PI)
    nr = jnp.where(u >= 0, u + _f(0.5), u - _f(0.5)).astype(jnp.int32)
    n = nr.astype(jnp.float32)
    odd = lax.shift_left(nr, 31)
    r = t - n * _f(_PI_HI)
    r = r - n * _f(_PI_LO)
    r2 = r * r
    p = r + r * (r2 * (_f(_S3) + r2 * (_f(_S5) + r2 * (_f(_S7) + r2 * _f(_S9)))))
    pi = lax.bitcast_convert_type(p, jnp.int32) ^ odd
    return lax.bitcast_convert_type(pi, jnp.float32)


def _ln_1to2(m):
    t = (m - _f(1.0)) / (m + _f(1.0))
    t2 = t * t
    return _f(2.0) * t * (_f(1.0) + t2 * (_f(1 / 3) + t2 * (_f(0.2) + t2 * _f(1 / 7))))


def _compute_vec(x, act):
    ax = jnp.abs(x)
    relu = jnp.maximum(x, _f(0.0))
    earg = jnp.where(act == 6, x * x * _f(-0.5), -ax)
    e = jnp.exp(earg)
    den = _f(1.0) + e
    sig = jnp.where(x >= 0, _f(1.0), e) / den
    e2 = e * e
    th = jnp.sign(x) * (_f(1.0) - e2) / (_f(1.0) + e2)
    sp = relu + _ln_1to2(den)
    s = _sin_poly_sc(x + jnp.where(act == 5, _f(_HALF_PI), _f(0.0)))
    return jnp.where(act == 0, x,
           jnp.where(act == 1, relu,
           jnp.where(act == 2, sig,
           jnp.where(act == 3, th,
           jnp.where(act <= 5, s,
           jnp.where(act == 6, e,
           jnp.where(act == 7, ax, sp)))))))


def _sc_kernel(x_hbm, out_hbm, buf, sem):
    wid = lax.axis_index("s") * 2 + lax.axis_index("c")
    lane = lax.iota(jnp.int32, 16)

    def chunk_body(it, carry):
        base = wid * _ROWS_PER_W + it * _CHUNK_ROWS
        pltpu.sync_copy(x_hbm.at[pl.ds(base, _CHUNK_ROWS)], buf)

        def vec_body(i, c2):
            r = lax.shift_right_logical(i, 2)
            j = lax.shift_left(i & 3, 4)
            act = (lane + j) % 9
            v = buf[r, pl.ds(j, 16)]
            buf[r, pl.ds(j, 16)] = _compute_vec(v, act)
            return c2

        lax.fori_loop(0, _CHUNK_ROWS * 4, vec_body, 0)
        pltpu.sync_copy(buf, out_hbm.at[pl.ds(base, _CHUNK_ROWS)])
        return carry

    lax.fori_loop(0, _N_CHUNKS, chunk_body, 0)


@jax.jit
def kernel(x):
    mesh = plsc.VectorSubcoreMesh(core_axis_name="c", subcore_axis_name="s")
    return pl.kernel(
        _sc_kernel,
        mesh=mesh,
        out_type=jax.ShapeDtypeStruct((_N_ROWS, _N_COLS), jnp.float32),
        scratch_types=[
            pltpu.VMEM((_CHUNK_ROWS, _N_COLS), jnp.float32),
            pltpu.SemaphoreType.DMA,
        ],
    )(x)

# --- scband reference (transcript-rebuilt; emitter-appended) ---
"""Pipeline reference for scband-heterogeneous-activation-1958505087016 (READ-ONLY COPY).

The authoritative reference and input builder live on the scoring server;
editing this copy changes nothing except your own understanding.
"""

import jax, jax.numpy as jnp
import numpy as np

_ACTS = ["identity", "relu", "sigmoid", "tanh", "sin", "cos", "gaussian", "abs", "softplus"]
_ACTIVATIONS = [_ACTS[i % 9] for i in range(64)]

_FNS = {
    "identity": lambda x: x,
    "relu": jax.nn.relu,
    "sigmoid": jax.nn.sigmoid,
    "tanh": jnp.tanh,
    "sin": jnp.sin,
    "cos": jnp.cos,
    "gaussian": lambda x: jnp.exp(-x * x / 2.0),
    "abs": jnp.abs,
    "softplus": jax.nn.softplus,
}

def _groups():
    g = {}
    for i, name in enumerate(_ACTIVATIONS):
        g.setdefault(name, []).append(i)
    return [(name, jnp.asarray(idx, dtype=jnp.int32)) for name, idx in g.items()]

def setup_inputs(seed: int = 0) -> dict:
    key = jax.random.key(seed)
    x = jax.random.normal(key, (131072, 64), dtype=jnp.float32)
    return {"x": x}

def reference(x):
    # Grouped per-channel heterogeneous activation: gather channel group,
    # apply its activation vectorized, scatter-overwrite into output.
    out = jnp.zeros_like(x)
    for name, idx in _groups():
        out = out.at[:, idx].set(_FNS[name](x[:, idx]))
    return out

if __name__ == "__main__":
    import jax
    _d = setup_inputs()
    print(jax.jit(kernel)(*tuple(_d.values())))

</pallas_src>

<mosaic_0001>
#map = affine_map<(d0, d1) -> (0, 0)>
module attributes {stable_mosaic.version = 14 : i64} {
  func.func @_sc_kernel(%arg0: i32, %arg1: i32, %arg2: memref<131072x64xf32, #tpu.memory_space<hbm>>, %arg3: memref<131072x64xf32, #tpu.memory_space<hbm>>, %arg4: memref<1024x64xf32, #tpu.memory_space<vmem>>, %arg5: memref<!tpu.dma_semaphore, #tpu.memory_space<semaphore_mem>>) attributes {dimension_semantics = [#tpu.dimension_semantics<core_parallel>, #tpu.dimension_semantics<subcore_parallel>], iteration_bounds = array<i64: 2, 16>, scalar_prefetch = 0 : i64, scratch_operands = 2 : i64, tpu.core_type = #tpu.core_type<sc_vector_subcore>, window_params = [{transform_indices = #map}, {transform_indices = #map}]} {
    %mul3A = arith.constant 2 : i32
    %mul3A_0 = arith.muli %arg1, %mul3A : i32
    %add3A = arith.addi %mul3A_0, %arg0 : i32
    %iota3A = tpu.iota {dimensions = array<i32: 0>} : vector<16xi32>
    %scan3A = arith.constant 0 : i32
    %scan3A_1 = arith.constant 0 : i32
    %scan3A_2 = arith.constant 4 : i32
    %scan3A_3 = arith.addi %scan3A_1, %scan3A_2 : i32
    %scan3A_4 = arith.constant 1 : i32
    scf.for %scan3A_6 = %scan3A_1 to %scan3A_3 step %scan3A_4  : i32 {
      %mul3A_7 = arith.constant 4096 : i32
      %mul3A_8 = arith.muli %add3A, %mul3A_7 : i32
      %mul3A_9 = arith.constant 1024 : i32
      %mul3A_10 = arith.muli %scan3A_6, %mul3A_9 : i32
      %add3A_11 = arith.addi %mul3A_8, %mul3A_10 : i32
      "tpu.region"() ({
        %run_scoped3A = tpu.sem_alloc : memref<!tpu.dma_semaphore, #tpu.memory_space<semaphore_mem>>
        %dma_start3A = arith.constant 0 : i32
        %dma_start3A_18 = tpu.memref_slice %arg2[%add3A_11, %dma_start3A] : memref<131072x64xf32, #tpu.memory_space<hbm>> -> memref<1024x64xf32, #tpu.memory_space<hbm>>
        %dma_start3A_19 = arith.constant 0 : i32
        %dma_start3A_20 = tpu.memref_slice %arg2[%add3A_11, %dma_start3A_19] : memref<131072x64xf32, #tpu.memory_space<hbm>> -> memref<1024x64xf32, #tpu.memory_space<hbm>>
        tpu.enqueue_dma source(%dma_start3A_20 : memref<1024x64xf32, #tpu.memory_space<hbm>>) target(%arg4 : memref<1024x64xf32, #tpu.memory_space<vmem>>) target_semaphore(%run_scoped3A : memref<!tpu.dma_semaphore, #tpu.memory_space<semaphore_mem>>)
        %dma_wait3A = arith.constant 0 : i32
        %dma_wait3A_21 = tpu.memref_slice %arg2[%add3A_11, %dma_wait3A] : memref<131072x64xf32, #tpu.memory_space<hbm>> -> memref<1024x64xf32, #tpu.memory_space<hbm>>
        %dma_wait3A_22 = arith.constant 0 : i32
        %dma_wait3A_23 = tpu.memref_slice %arg2[%add3A_11, %dma_wait3A_22] : memref<131072x64xf32, #tpu.memory_space<hbm>> -> memref<1024x64xf32, #tpu.memory_space<hbm>>
        tpu.wait_dma2 semaphore(%run_scoped3A : memref<!tpu.dma_semaphore, #tpu.memory_space<semaphore_mem>>) src(%dma_wait3A_23 : memref<1024x64xf32, #tpu.memory_space<hbm>>) dst(%arg4 : memref<1024x64xf32, #tpu.memory_space<vmem>>)
        tpu.yield
      }) : () -> ()
      %scan3A_12 = arith.constant 0 : i32
      %scan3A_13 = arith.constant 0 : i32
      %scan3A_14 = arith.constant 4096 : i32
      %scan3A_15 = arith.addi %scan3A_13, %scan3A_14 : i32
      %scan3A_16 = arith.constant 1 : i32
      scf.for %scan3A_18 = %scan3A_13 to %scan3A_15 step %scan3A_16  : i32 {
        %shift_right_logical3A = arith.constant 2 : i32
        %shift_right_logical3A_19 = arith.shrui %scan3A_18, %shift_right_logical3A : i32
        %and3A = arith.constant 3 : i32
        %and3A_20 = arith.andi %scan3A_18, %and3A : i32
        %shift_left3A = arith.constant 4 : i32
        %shift_left3A_21 = arith.shli %and3A_20, %shift_left3A : i32
        %add3A_22 = vector.broadcast %shift_left3A_21 : i32 to vector<16xi32>
        %add3A_23 = arith.addi %iota3A, %add3A_22 : vector<16xi32>
        %jit3A = arith.constant 9 : i32
        %eq3A = arith.constant 0 : i32
        %eq3A_24 = arith.cmpi eq, %jit3A, %eq3A : i32
        %jit3A_25 = arith.constant 1 : i32
        %select_n3A = arith.select %eq3A_24, %jit3A_25, %jit3A : i32
        %rem3A = vector.broadcast %select_n3A : i32 to vector<16xi32>
        %rem3A_26 = arith.remsi %add3A_23, %rem3A : vector<16xi32>
        %ne3A = arith.constant 0 : i32
        %ne3A_27 = vector.broadcast %ne3A : i32 to vector<16xi32>
        %ne3A_28 = arith.cmpi ne, %rem3A_26, %ne3A_27 : vector<16xi32>
        %lt3A = arith.constant 0 : i32
        %lt3A_29 = vector.broadcast %lt3A : i32 to vector<16xi32>
        %lt3A_30 = arith.cmpi slt, %rem3A_26, %lt3A_29 : vector<16xi32>
        %lt3A_31 = arith.constant 0 : i32
        %lt3A_32 = arith.cmpi slt, %select_n3A, %lt3A_31 : i32
        %ne3A_33 = vector.broadcast %lt3A_32 : i1 to vector<16xi1>
        %ne3A_34 = vector.broadcast %ne3A_33 : vector<16xi1> to vector<16xi1>
        %ne3A_35 = arith.xori %lt3A_30, %ne3A_34 : vector<16xi1>
        %and3A_36 = arith.andi %ne3A_35, %ne3A_28 : vector<16xi1>
        %add3A_37 = vector.broadcast %select_n3A : i32 to vector<16xi32>
        %add3A_38 = arith.addi %rem3A_26, %add3A_37 : vector<16xi32>
        %select_n3A_39 = arith.select %and3A_36, %add3A_38, %rem3A_26 : vector<16xi1>, vector<16xi32>
        %get3A = arith.index_cast %shift_right_logical3A_19 : i32 to index
        %get3A_40 = arith.index_cast %shift_left3A_21 : i32 to index
        %get3A_41 = tpu.vector_load %arg4[%get3A, %get3A_40] {strides = array<i32>} : memref<1024x64xf32, #tpu.memory_space<vmem>>, vector<1x16xf32>,
        %get3A_42 = vector.shape_cast %get3A_41 : vector<1x16xf32> to vector<16xf32>
        %abs3A = math.absf %get3A_42 : vector<16xf32>
        %max3A = arith.constant 0.000000e+00 : f32
        %max3A_43 = vector.broadcast %max3A : f32 to vector<16xf32>
        %max3A_44 = arith.maximumf %get3A_42, %max3A_43 : vector<16xf32>
        %eq3A_45 = arith.constant 6 : i32
        %eq3A_46 = vector.broadcast %eq3A_45 : i32 to vector<16xi32>
        %eq3A_47 = arith.cmpi eq, %select_n3A_39, %eq3A_46 : vector<16xi32>
        %mul3A_48 = arith.mulf %get3A_42, %get3A_42 : vector<16xf32>
        %mul3A_49 = arith.constant -5.000000e-01 : f32
        %mul3A_50 = vector.broadcast %mul3A_49 : f32 to vector<16xf32>
        %mul3A_51 = arith.mulf %mul3A_48, %mul3A_50 : vector<16xf32>
        %neg3A = arith.constant 0.000000e+00 : f32
        %neg3A_52 = vector.broadcast %neg3A : f32 to vector<16xf32>
        %neg3A_53 = arith.subf %neg3A_52, %abs3A : vector<16xf32>
        %select_n3A_54 = arith.select %eq3A_47, %mul3A_51, %neg3A_53 : vector<16xi1>, vector<16xf32>
        %exp3A = math.exp %select_n3A_54 : vector<16xf32>
        %add3A_55 = arith.constant 1.000000e+00 : f32
        %add3A_56 = vector.broadcast %add3A_55 : f32 to vector<16xf32>
        %add3A_57 = arith.addf %add3A_56, %exp3A : vector<16xf32>
        %ge3A = arith.constant 0.000000e+00 : f32
        %ge3A_58 = vector.broadcast %ge3A : f32 to vector<16xf32>
        %ge3A_59 = arith.cmpf oge, %get3A_42, %ge3A_58 : vector<16xf32>
        %jit3A_60 = arith.constant 1.000000e+00 : f32
        %broadcast_in_dim3A = vector.broadcast %jit3A_60 : f32 to vector<16xf32>
        %select_n3A_61 = arith.select %ge3A_59, %broadcast_in_dim3A, %exp3A : vector<16xi1>, vector<16xf32>
        %div3A = arith.divf %select_n3A_61, %add3A_57 : vector<16xf32>
        %mul3A_62 = arith.mulf %exp3A, %exp3A : vector<16xf32>
        %sign3A = tpu.bitcast %get3A_42 : vector<16xf32> -> vector<16xi32>
        %sign3A_63 = arith.constant -2147483648 : i32
        %sign3A_64 = vector.broadcast %sign3A_63 : i32 to vector<16xi32>
        %sign3A_65 = arith.andi %sign3A, %sign3A_64 : vector<16xi32>
        %sign3A_66 = arith.constant 1065353216 : i32
        %sign3A_67 = vector.broadcast %sign3A_66 : i32 to vector<16xi32>
        %sign3A_68 = arith.ori %sign3A_67, %sign3A_65 : vector<16xi32>
        %sign3A_69 = tpu.bitcast %sign3A_68 : vector<16xi32> -> vector<16xf32>
        %sign3A_70 = math.absf %get3A_42 : vector<16xf32>
        %sign3A_71 = arith.constant 0.000000e+00 : f32
        %sign3A_72 = vector.broadcast %sign3A_71 : f32 to vector<16xf32>
        %sign3A_73 = arith.cmpf ogt, %sign3A_70, %sign3A_72 : vector<16xf32>
        %sign3A_74 = arith.select %sign3A_73, %sign3A_69, %get3A_42 : vector<16xi1>, vector<16xf32>
        %sub3A = arith.constant 1.000000e+00 : f32
        %sub3A_75 = vector.broadcast %sub3A : f32 to vector<16xf32>
        %sub3A_76 = arith.subf %sub3A_75, %mul3A_62 : vector<16xf32>
        %mul3A_77 = arith.mulf %sign3A_74, %sub3A_76 : vector<16xf32>
        %add3A_78 = arith.constant 1.000000e+00 : f32
        %add3A_79 = vector.broadcast %add3A_78 : f32 to vector<16xf32>
        %add3A_80 = arith.addf %add3A_79, %mul3A_62 : vector<16xf32>
        %div3A_81 = arith.divf %mul3A_77, %add3A_80 : vector<16xf32>
        %sub3A_82 = arith.constant 1.000000e+00 : f32
        %sub3A_83 = vector.broadcast %sub3A_82 : f32 to vector<16xf32>
        %sub3A_84 = arith.subf %add3A_57, %sub3A_83 : vector<16xf32>
        %add3A_85 = arith.constant 1.000000e+00 : f32
        %add3A_86 = vector.broadcast %add3A_85 : f32 to vector<16xf32>
        %add3A_87 = arith.addf %add3A_57, %add3A_86 : vector<16xf32>
        %div3A_88 = arith.divf %sub3A_84, %add3A_87 : vector<16xf32>
        %mul3A_89 = arith.mulf %div3A_88, %div3A_88 : vector<16xf32>
        %mul3A_90 = arith.constant 2.000000e+00 : f32
        %mul3A_91 = vector.broadcast %mul3A_90 : f32 to vector<16xf32>
        %mul3A_92 = arith.mulf %mul3A_91, %div3A_88 : vector<16xf32>
        %mul3A_93 = arith.constant 0.142857149 : f32
        %mul3A_94 = vector.broadcast %mul3A_93 : f32 to vector<16xf32>
        %mul3A_95 = arith.mulf %mul3A_89, %mul3A_94 : vector<16xf32>
        %add3A_96 = arith.constant 2.000000e-01 : f32
        %add3A_97 = vector.broadcast %add3A_96 : f32 to vector<16xf32>
        %add3A_98 = arith.addf %add3A_97, %mul3A_95 : vector<16xf32>
        %mul3A_99 = arith.mulf %mul3A_89, %add3A_98 : vector<16xf32>
        %add3A_100 = arith.constant 0.333333343 : f32
        %add3A_101 = vector.broadcast %add3A_100 : f32 to vector<16xf32>
        %add3A_102 = arith.addf %add3A_101, %mul3A_99 : vector<16xf32>
        %mul3A_103 = arith.mulf %mul3A_89, %add3A_102 : vector<16xf32>
        %add3A_104 = arith.constant 1.000000e+00 : f32
        %add3A_105 = vector.broadcast %add3A_104 : f32 to vector<16xf32>
        %add3A_106 = arith.addf %add3A_105, %mul3A_103 : vector<16xf32>
        %mul3A_107 = arith.mulf %mul3A_92, %add3A_106 : vector<16xf32>
        %add3A_108 = arith.addf %max3A_44, %mul3A_107 : vector<16xf32>
        %eq3A_109 = arith.constant 5 : i32
        %eq3A_110 = vector.broadcast %eq3A_109 : i32 to vector<16xi32>
        %eq3A_111 = arith.cmpi eq, %select_n3A_39, %eq3A_110 : vector<16xi32>
        %jit3A_112 = arith.constant 1.57079637 : f32
        %jit3A_113 = arith.constant 0.000000e+00 : f32
        %broadcast_in_dim3A_114 = vector.broadcast %jit3A_112 : f32 to vector<16xf32>
        %broadcast_in_dim3A_115 = vector.broadcast %jit3A_113 : f32 to vector<16xf32>
        %select_n3A_116 = arith.select %eq3A_111, %broadcast_in_dim3A_114, %broadcast_in_dim3A_115 : vector<16xi1>, vector<16xf32>
        %add3A_117 = arith.addf %get3A_42, %select_n3A_116 : vector<16xf32>
        %mul3A_118 = arith.constant 0.318309873 : f32
        %mul3A_119 = vector.broadcast %mul3A_118 : f32 to vector<16xf32>
        %mul3A_120 = arith.mulf %add3A_117, %mul3A_119 : vector<16xf32>
        %ge3A_121 = arith.constant 0.000000e+00 : f32
        %ge3A_122 = vector.broadcast %ge3A_121 : f32 to vector<16xf32>
        %ge3A_123 = arith.cmpf oge, %mul3A_120, %ge3A_122 : vector<16xf32>
        %add3A_124 = arith.constant 5.000000e-01 : f32
        %add3A_125 = vector.broadcast %add3A_124 : f32 to vector<16xf32>
        %add3A_126 = arith.addf %mul3A_120, %add3A_125 : vector<16xf32>
        %sub3A_127 = arith.constant 5.000000e-01 : f32
        %sub3A_128 = vector.broadcast %sub3A_127 : f32 to vector<16xf32>
        %sub3A_129 = arith.subf %mul3A_120, %sub3A_128 : vector<16xf32>
        %select_n3A_130 = arith.select %ge3A_123, %add3A_126, %sub3A_129 : vector<16xi1>, vector<16xf32>
        %convert_element_type3A = arith.fptosi %select_n3A_130 : vector<16xf32> to vector<16xi32>
        %convert_element_type3A_131 = arith.sitofp %convert_element_type3A : vector<16xi32> to vector<16xf32>
        %shift_left3A_132 = arith.constant 31 : i32
        %shift_left3A_133 = vector.broadcast %shift_left3A_132 : i32 to vector<16xi32>
        %shift_left3A_134 = arith.shli %convert_element_type3A, %shift_left3A_133 : vector<16xi32>
        %mul3A_135 = arith.constant 3.140625 : f32
        %mul3A_136 = vector.broadcast %mul3A_135 : f32 to vector<16xf32>
        %mul3A_137 = arith.mulf %convert_element_type3A_131, %mul3A_136 : vector<16xf32>
        %sub3A_138 = arith.subf %add3A_117, %mul3A_137 : vector<16xf32>
        %mul3A_139 = arith.constant 9.67653584E-4 : f32
        %mul3A_140 = vector.broadcast %mul3A_139 : f32 to vector<16xf32>
        %mul3A_141 = arith.mulf %convert_element_type3A_131, %mul3A_140 : vector<16xf32>
        %sub3A_142 = arith.subf %sub3A_138, %mul3A_141 : vector<16xf32>
        %mul3A_143 = arith.mulf %sub3A_142, %sub3A_142 : vector<16xf32>
        %mul3A_144 = arith.constant 2.75573143E-6 : f32
        %mul3A_145 = vector.broadcast %mul3A_144 : f32 to vector<16xf32>
        %mul3A_146 = arith.mulf %mul3A_143, %mul3A_145 : vector<16xf32>
        %add3A_147 = arith.constant -1.98412701E-4 : f32
        %add3A_148 = vector.broadcast %add3A_147 : f32 to vector<16xf32>
        %add3A_149 = arith.addf %add3A_148, %mul3A_146 : vector<16xf32>
        %mul3A_150 = arith.mulf %mul3A_143, %add3A_149 : vector<16xf32>
        %add3A_151 = arith.constant 0.00833333377 : f32
        %add3A_152 = vector.broadcast %add3A_151 : f32 to vector<16xf32>
        %add3A_153 = arith.addf %add3A_152, %mul3A_150 : vector<16xf32>
        %mul3A_154 = arith.mulf %mul3A_143, %add3A_153 : vector<16xf32>
        %add3A_155 = arith.constant -0.166666672 : f32
        %add3A_156 = vector.broadcast %add3A_155 : f32 to vector<16xf32>
        %add3A_157 = arith.addf %add3A_156, %mul3A_154 : vector<16xf32>
        %mul3A_158 = arith.mulf %mul3A_143, %add3A_157 : vector<16xf32>
        %mul3A_159 = arith.mulf %sub3A_142, %mul3A_158 : vector<16xf32>
        %add3A_160 = arith.addf %sub3A_142, %mul3A_159 : vector<16xf32>
        %bitcast_convert_type3A = tpu.bitcast %add3A_160 : vector<16xf32> -> vector<16xi32>
        %xor3A = arith.xori %bitcast_convert_type3A, %shift_left3A_134 : vector<16xi32>
        %bitcast_convert_type3A_161 = tpu.bitcast %xor3A : vector<16xi32> -> vector<16xf32>
        %eq3A_162 = arith.constant 0 : i32
        %eq3A_163 = vector.broadcast %eq3A_162 : i32 to vector<16xi32>
        %eq3A_164 = arith.cmpi eq, %select_n3A_39, %eq3A_163 : vector<16xi32>
        %eq3A_165 = arith.constant 1 : i32
        %eq3A_166 = vector.broadcast %eq3A_165 : i32 to vector<16xi32>
        %eq3A_167 = arith.cmpi eq, %select_n3A_39, %eq3A_166 : vector<16xi32>
        %eq3A_168 = arith.constant 2 : i32
        %eq3A_169 = vector.broadcast %eq3A_168 : i32 to vector<16xi32>
        %eq3A_170 = arith.cmpi eq, %select_n3A_39, %eq3A_169 : vector<16xi32>
        %eq3A_171 = arith.constant 3 : i32
        %eq3A_172 = vector.broadcast %eq3A_171 : i32 to vector<16xi32>
        %eq3A_173 = arith.cmpi eq, %select_n3A_39, %eq3A_172 : vector<16xi32>
        %le3A = arith.constant 5 : i32
        %le3A_174 = vector.broadcast %le3A : i32 to vector<16xi32>
        %le3A_175 = arith.cmpi sle, %select_n3A_39, %le3A_174 : vector<16xi32>
        %eq3A_176 = arith.constant 6 : i32
        %eq3A_177 = vector.broadcast %eq3A_176 : i32 to vector<16xi32>
        %eq3A_178 = arith.cmpi eq, %select_n3A_39, %eq3A_177 : vector<16xi32>
        %eq3A_179 = arith.constant 7 : i32
        %eq3A_180 = vector.broadcast %eq3A_179 : i32 to vector<16xi32>
        %eq3A_181 = arith.cmpi eq, %select_n3A_39, %eq3A_180 : vector<16xi32>
        %select_n3A_182 = arith.select %eq3A_181, %abs3A, %add3A_108 : vector<16xi1>, vector<16xf32>
        %select_n3A_183 = arith.select %eq3A_178, %exp3A, %select_n3A_182 : vector<16xi1>, vector<16xf32>
        %select_n3A_184 = arith.select %le3A_175, %bitcast_convert_type3A_161, %select_n3A_183 : vector<16xi1>, vector<16xf32>
        %select_n3A_185 = arith.select %eq3A_173, %div3A_81, %select_n3A_184 : vector<16xi1>, vector<16xf32>
        %select_n3A_186 = arith.select %eq3A_170, %div3A, %select_n3A_185 : vector<16xi1>, vector<16xf32>
        %select_n3A_187 = arith.select %eq3A_167, %max3A_44, %select_n3A_186 : vector<16xi1>, vector<16xf32>
        %select_n3A_188 = arith.select %eq3A_164, %get3A_42, %select_n3A_187 : vector<16xi1>, vector<16xf32>
        %swap3A = arith.index_cast %shift_right_logical3A_19 : i32 to index
        %swap3A_189 = arith.index_cast %shift_left3A_21 : i32 to index
        %swap3A_190 = tpu.vector_load %arg4[%swap3A, %swap3A_189] {strides = array<i32>} : memref<1024x64xf32, #tpu.memory_space<vmem>>, vector<1x16xf32>,
        %swap3A_191 = vector.shape_cast %swap3A_190 : vector<1x16xf32> to vector<16xf32>
        %swap3A_192 = vector.shape_cast %select_n3A_188 : vector<16xf32> to vector<1x16xf32>
        tpu.vector_store %arg4[%swap3A, %swap3A_189], %swap3A_192 {strides = array<i32>} : memref<1024x64xf32, #tpu.memory_space<vmem>>, vector<1x16xf32>,
      }
      %scan3A_17 = arith.constant 4096 : i32
      "tpu.region"() ({
        %run_scoped3A = tpu.sem_alloc : memref<!tpu.dma_semaphore, #tpu.memory_space<semaphore_mem>>
        %dma_start3A = arith.constant 0 : i32
        %dma_start3A_18 = tpu.memref_slice %arg3[%add3A_11, %dma_start3A] : memref<131072x64xf32, #tpu.memory_space<hbm>> -> memref<1024x64xf32, #tpu.memory_space<hbm>>
        %dma_start3A_19 = arith.constant 0 : i32
        %dma_start3A_20 = tpu.memref_slice %arg3[%add3A_11, %dma_start3A_19] : memref<131072x64xf32, #tpu.memory_space<hbm>> -> memref<1024x64xf32, #tpu.memory_space<hbm>>
        tpu.enqueue_dma source(%arg4 : memref<1024x64xf32, #tpu.memory_space<vmem>>) target(%dma_start3A_20 : memref<1024x64xf32, #tpu.memory_space<hbm>>) target_semaphore(%run_scoped3A : memref<!tpu.dma_semaphore, #tpu.memory_space<semaphore_mem>>)
        %dma_wait3A = arith.constant 0 : i32
        %dma_wait3A_21 = tpu.memref_slice %arg3[%add3A_11, %dma_wait3A] : memref<131072x64xf32, #tpu.memory_space<hbm>> -> memref<1024x64xf32, #tpu.memory_space<hbm>>
        %dma_wait3A_22 = arith.constant 0 : i32
        %dma_wait3A_23 = tpu.memref_slice %arg3[%add3A_11, %dma_wait3A_22] : memref<131072x64xf32, #tpu.memory_space<hbm>> -> memref<1024x64xf32, #tpu.memory_space<hbm>>
        tpu.wait_dma2 semaphore(%run_scoped3A : memref<!tpu.dma_semaphore, #tpu.memory_space<semaphore_mem>>) src(%arg4 : memref<1024x64xf32, #tpu.memory_space<vmem>>) dst(%dma_wait3A_23 : memref<1024x64xf32, #tpu.memory_space<hbm>>)
        tpu.yield
      }) : () -> ()
    }
    %scan3A_5 = arith.constant 4 : i32
    return
  }
}

</mosaic_0001>

<sc_bundles>
// kernel: kernel.3.cloned.1.call-start
scs
__scs_entry_jumppad:
0x0: {  	(pc) =	sbr.rel $0x88, $3  }
0x1: {  	(tag) =	ssettag $0x0;
	lr =	simm.s32 $0x1  }
0x2: {  	[smem:$0x3FA0] =	sst lr;
	_ =	strace $0xD0000000  }
0x3: {  	_ = 	snop  }
0x4: {  	_ = 	snop  }
0x5: {  	_ = 	snop  }
0x6: {  	_ = 	snop  }
0x7: {  	_ = 	snop  }
__scs_overlays_trampoline_lowered:
0x8: {  	[smem:$0x3FAF] =	sst s0  }
0x9: {  	[smem:$0x3FB0] =	sst s1  }
0xa: {  	[smem:$0x3FB1] =	sst s2  }
0xb: {  	[smem:$0x3FB2] =	sst s3  }
0xc: {  	[smem:$0x3FB3] =	sst s4  }
0xd: {  	[smem:$0x3FB4] =	sst s5  }
0xe: {  	[smem:$0x3FB5] =	sst s6  }
0xf: {  	[smem:$0x3FB6] =	sst s7  }
0x10: {  	[smem:$0x3FB7] =	sst s8  }
0x11: {  	[smem:$0x3FB8] =	sst s9;
	s0 =	simm.s32 @!p0 $0x0  }
0x12: {  	s1 =	sld [smem:$0x3F9E];
	s0 =	simm.s32 @p0 $0x1  }
0x13: {  	[smem:$0x3FB9] =	sst s0;
	s0 =	simm.s32 @!p1 $0x0  }
0x14: {  	s2 =	sld [smem:$0x3F9D];
	s0 =	simm.s32 @p1 $0x1  }
0x15: {  	[smem:$0x3FBA] =	sst s0;
	s0 =	simm.s32 @!p2 $0x0  }
0x16: {  	s3 =	sld [smem:$0x3FDB];
	s0 =	simm.s32 @p2 $0x1  }
0x17: {  	s4 =	simm.s32 $0x1BF5;
	[smem:$0x3FBC] =	sst s0  }
0x18: {  	s0 =	sld [smem:$0x3F9F];
	_ =	swait.ge [sflag:s4], $0x0  }
0x19: {  	s7 =	sld [smem:$0x3FA0]  }
0x1a: {  	s8 =	sadd.s32 $0xFFFFE003, lr  }
0x1b: {  	s9 =	sadd.s32 $0xFFFFFEF7, lr;
	s5 =	simm.s32 $0xFFFFFFFF;
	p2 =	slt.u32 s8, $0xFFFFF086  }
0x1c: {  	p1 =	slt.u32 s9, $0xF7A;
	s5 =	simm.s32 @!p2 $0x0  }
0x1d: {  	s5 =	simm.s32 @p1 $0x1;
	p0 =	seq.s32 s7, s2  }
0x1e: {  	s7 =	smul.u32 @!p0 $0xF7A, s2;
	p2 =	seq.s32 @!p0 s5, $0x0  }
0x1f: {  	s9 =	smul.u32 $0xF7A, s1;
	s8 =	simm.s32 @!p0 $0x1BF5;
	p2 =	por !p2, p0  }
0x20: {  	[sflag:s8] =	ssyncset.s32 @!p0 $0xFFFFF086;
	s6 =	sadd.s32 @!p0 s3, s7;
	s7 =	simm.s32 @!p0 $0x108  }
0x21: {  	s3 =	sadd.s32 s3, s9;
	s6 =	sadd.s32 @!p0 $0x88, s6;
	s7 =	simm.s32 @p2 $0x1082  }
0x22: {  	[simem:s7], [sflag:s8] =	dma.local @!p0 [hbm:s6], $0xF7A  }
0x23: {  	s9 =	sor.u32 $0xD0000000, s2;
	s6 =	simm.s32 $0x108;
	_ =	swait.ge @!p0 [sflag:s8], $0x0  }
0x24: {  	s3 =	sadd.s32 $0x88, s3;
	s6 =	simm.s32 @!p1 $0x1082;
	[sflag:s4] =	ssyncset.s32 $0xFFFFF086  }
0x25: {  	[simem:s6], [sflag:s4] =	dma.local [hbm:s3], $0xF7A  }
0x26: {  	[smem:$0x3FA0] =	sst s1;
	(tag) =	ssettag s2;
	_ =	strace s9  }
0x27: {  	s1 =	sld [smem:$0x3FB0]  }
0x28: {  	s2 =	sld [smem:$0x3FB1]  }
0x29: {  	s4 =	sld [smem:$0x3FB3]  }
0x2a: {  	p0 =	seq.s32 s5, $0x0;
	s5 =	sld [smem:$0x3FB4]  }
0x2b: {  	s6 =	sld [smem:$0x3FB5]  }
0x2c: {  	s7 =	sld [smem:$0x3FB6]  }
0x2d: {  	s3 =	simm.s32 $0x108;
	s8 =	sld [smem:$0x3FB7]  }
0x2e: {  	s3 =	simm.s32 @!p0 $0x1082;
	s9 =	sld [smem:$0x3FB8]  }
0x2f: {  	lr =	sadd.s32 s0, s3;
	s0 =	sld [smem:$0x3FAF]  }
0x30: {  	s3 =	sld [smem:$0x3FB2]  }
0x31: {  	[smem:$0x3FBB] =	sst s10  }
0x32: {  	s10 =	sld [smem:$0x3FB9];
	_ =	sdelay $0x3  }
0x33: {  	p0 =	seq.s32 s10, $0x1;
	s10 =	sld [smem:$0x3FBB];
	_ =	sdelay $0x3  }
0x34: {  	[smem:$0x3FBB] =	sst s10  }
0x35: {  	s10 =	sld [smem:$0x3FBA];
	_ =	sdelay $0x3  }
0x36: {  	p1 =	seq.s32 s10, $0x1;
	s10 =	sld [smem:$0x3FBB];
	_ =	sdelay $0x3  }
0x37: {  	[smem:$0x3FBB] =	sst s10  }
0x38: {  	s10 =	sld [smem:$0x3FBC]  }
0x39: {  	_ = 	snop;
	(pc) =	sbr.ind lr, $3  }
0x3a: {  	_ = 	snop  }
0x3b: {  	_ = 	snop  }
0x3c: {  	p2 =	seq.s32 s10, $0x1;
	s10 =	sld [smem:$0x3FBB]  }
0x3d: {  	_ =	shalt  }
0x3e: {  	_ =	shalt  }
0x3f: {  	_ =	shalt  }
0x40: {  	_ =	shalt  }
0x41: {  	_ =	shalt  }
0x42: {  	_ =	shalt  }
0x43: {  	_ =	shalt  }
0x44: {  	_ =	shalt  }
0x45: {  	_ =	shalt  }
0x46: {  	_ =	shalt  }
0x47: {  	_ =	shalt  }
0x48: {  	_ =	shalt  }
0x49: {  	_ =	shalt  }
0x4a: {  	_ =	shalt  }
0x4b: {  	_ =	shalt  }
0x4c: {  	_ =	shalt  }
0x4d: {  	_ =	shalt  }
0x4e: {  	_ =	shalt  }
0x4f: {  	_ =	shalt  }
0x50: {  	_ =	shalt  }
0x51: {  	_ =	shalt  }
0x52: {  	_ =	shalt  }
0x53: {  	_ =	shalt  }
0x54: {  	_ =	shalt  }
0x55: {  	_ =	shalt  }
0x56: {  	_ =	shalt  }
0x57: {  	_ =	shalt  }
0x58: {  	_ =	shalt  }
0x59: {  	_ =	shalt  }
0x5a: {  	_ =	shalt  }
0x5b: {  	_ =	shalt  }
0x5c: {  	_ =	shalt  }
0x5d: {  	_ =	shalt  }
0x5e: {  	_ =	shalt  }
0x5f: {  	_ =	shalt  }
0x60: {  	_ =	shalt  }
0x61: {  	_ =	shalt  }
0x62: {  	_ =	shalt  }
0x63: {  	_ =	shalt  }
0x64: {  	_ =	shalt  }
0x65: {  	_ =	shalt  }
0x66: {  	_ =	shalt  }
0x67: {  	_ =	shalt  }
0x68: {  	_ =	shalt  }
0x69: {  	_ =	shalt  }
0x6a: {  	_ =	shalt  }
0x6b: {  	_ =	shalt  }
0x6c: {  	_ =	shalt  }
0x6d: {  	_ =	shalt  }
0x6e: {  	_ =	shalt  }
0x6f: {  	_ =	shalt  }
0x70: {  	_ =	shalt  }
0x71: {  	_ =	shalt  }
0x72: {  	_ =	shalt  }
0x73: {  	_ =	shalt  }
0x74: {  	_ =	shalt  }
0x75: {  	_ =	shalt  }
0x76: {  	_ =	shalt  }
0x77: {  	_ =	shalt  }
0x78: {  	_ =	shalt  }
0x79: {  	_ =	shalt  }
0x7a: {  	_ =	shalt  }
0x7b: {  	_ =	shalt  }
0x7c: {  	_ =	shalt  }
0x7d: {  	_ =	shalt  }
0x7e: {  	_ =	shalt  }
0x7f: {  	_ =	shalt  }
0x80: {  	_ =	shalt  }
0x81: {  	_ =	shalt  }
0x82: {  	_ =	shalt  }
0x83: {  	_ =	shalt  }
0x84: {  	_ =	shalt  }
0x85: {  	_ =	shalt  }
0x86: {  	_ =	shalt  }
0x87: {  	_ =	shalt  }
.Lfunc_end0:
.L_simem_size_0:
called_computation_lowered:
.L_overlay_start_0:
0x88: {  	s2 =	sld [smem:$0x3FD9]  }
0x89: {  	s3 =	sld [smem:$0x3FFE];
	_ =	sdelay $0x1  }
0x8a: {  	s1 =	srdreg.scid  }
0x8b: {  	s0 =	sand.u32 $0x1, s1  }
0x8c: {  	s16 =	sshll.u32 s0, $0xA;
	s2 =	sadd.s32 s3, s2  }
0x8d: {  	s2 =	sadd.s32 s2, s16  }
0x8e: {  	[smem:$0x3FC7] =	sst s2  }
0x8f: {  	_ = 	snop  }
0x90: {  	(tm) =	ssettm $0x1  }
0x91: {  	s17 =	sld [smem:$0x3FFB];
	_ =	sdelay $0x3  }
0x92: {  	_ =	strace s17  }
0x93: {  	s2 =	sld [smem:$0x3FFC];
	_ =	sdelay $0x3  }
0x94: {  	_ =	strace s2  }
0x95: {  	s2 =	sld [smem:$0x3FFD];
	_ =	sdelay $0x3  }
0x96: {  	_ =	strace s2  }
0x97: {  	_ =	strace $0x8FFFFFFF  }
0x98: {  	s18 =	sld [smem:$0x3FDB];
	_ =	sdelay $0x1  }
0x99: {  	s19 =	simm.s32 $_scs_section_size  }
0x9a: {  	s4 =	simm.s32 $_size__tile_overlayer_lowered;
	s5 =	simm.s32 $_tile_overlayer_lowered  }
0x9b: {  	s22 =	simm.s32 $0x1BFF;
	s21 =	sshll.u32 s5, $0x1;
	s2 =	sadd.s32 s19, s18  }
0x9c: {  	s6 =	simm.s32 $0x0;
	s20 =	sshll.u32 s4, $0x1;
	s4 =	sadd.s32 s21, s2  }
0x9d: {  	[timem:s6], [sflag:s22] =	dma.local [hbm:s4], s20  }
0x9e: {  	_ =	swait.ge [sflag:s22], s20  }
0x9f: {  	s3 =	ssub.s32 $0x0, s20;
	[sflag:s22] =	ssyncset.done $0x0  }
0xa0: {  	[sflag:s22] =	ssyncadd.s32 s3;
	_ =	sdelay $0x1  }
0xa1: {  	s23 =	simm.s32 $0x1B8B  }
0xa2: {  	_ =	swait.ge [sflag:s23], $0x1  }
0xa3: {  	[sflag:s23] =	ssyncset.done $0x0  }
0xa4: {  	s25 =	simm.s32 $0x1B8E;
	s24 =	sld [smem:$0x3FFE];
	[sflag:s23] =	ssyncadd.s32 $0xFFFFFFFF  }
0xa5: {  	s26 =	simm.s32 $execute0_lowered;
	[smem:$0x3FD2] =	sst s25  }
0xa6: {  	s4 =	sshll.u32 s26, $0x1;
	_ =	strace $0x80000046;
	[dreg:$0x1] =	wrdreg $0xFFFFFFFF  }
0xa7: {  	s28 =	simm.s32 $_size_execute0_lowered;
	s2 =	sadd.s32 s2, s4;
	[dreg:$0x0] =	wrdreg $0x0  }
0xa8: {  	s4 =	sshll.u32 s28, $0x1;
	[dreg:$0x2] =	wrdreg s2  }
0xa9: {  	[dreg:$0x3] =	wrdreg s4  }
0xaa: {  	[dreg:$0x4] =	wrdreg $0xC0  }
0xab: {  	_ =	task [dreg:s6], $0x5FFFF  }
0xac: {  	[dreg:$0x1] =	wrdreg $0xFFFFFFFF  }
0xad: {  	[dreg:$0x0] =	wrdreg $0x60  }
0xae: {  	[dreg:$0x2] =	wrdreg s24  }
0xaf: {  	[dreg:$0x3] =	wrdreg $0x9  }
0xb0: {  	_ =	task.clear_ibuf [dreg:s6], $0x4FFFF;
	_ =	strace $0x90000046  }
0xb1: {  	s29 =	simm.s32 $0x9;
	_ =	strace $0x80000048  }
0xb2: {  	_ =	swait.ge [sflag:s29], $0x1  }
0xb3: {  	[sflag:s29] =	ssyncadd.s32 $0xFFFFFFFF  }
0xb4: {  	_ =	strace $0x90000048  }
0xb5: {  	_ =	sfence  }
0xb6: {  	s30 =	sld [smem:$0x0];
	_ =	sdelay $0x2  }
0xb7: {  	s31 =	sshll.u32 s1, $0xD;
	s1 =	sshrl.u32 s1, $0x2  }
0xb8: {  	s3 =	sand.u32 $0x4000, s31;
	s1 =	sadd.s32 s1, s30  }
0xb9: {  	s0 =	sor.u32 s3, s0;
	s1 =	sshll.u32 s1, $0x11  }
0xba: {  	s0 =	sor.u32 s1, s0  }
0xbb: {  	s0 =	sadd.s32 $0x8F2B, s0  }
0xbc: {  	[sflag:s0] =	ssyncadd.remote.s32 $0x1  }
0xbd: {  	_ =	sfence.sel $0xFFFF  }
0xbe: {  	[dreg:$0x0] =	wrdreg $0xFFFFFFFF;
	(pc) =	sbr.abs _section_cstart, $3  }
0xbf: {  	[dreg:$0x1] =	wrdreg $0xFFFFFFFF  }
0xc0: {  	_ =	task.clear_ibuf [dreg:s6], $0x2FFFF;
	_ =	strace $0x9FFFFFFF  }
0xc1: {  	(tm) =	ssettm $0x7FFFFFFF  }
tec
execute0_lowered:
.L_overlay_start_1:
0x0: {  	(tag) =	ssettag $0x1  }
0x1: {  	s4 =	rddreg [dreg:$0x0]  }
0x2: {  	s0 =	rddreg [dreg:$0x1];
	s1 =	simm.s32 $0x0;
	s2 =	srdreg.scid  }
0x3: {  	[smem:$0x7FF] =	sst s1;
	s5 =	sand.u32 $0x1, s2;
	s3 =	sadd.s32 $0x400, s4  }
0x4: {  	s2 =	stileid.u32;
	s4 =	sadd.s32 $0x200400, s4;
	s6 =	ssub.s32 $0x2, s5  }
0x5: {  	s8 =	sshll.u32 s2, $0x11;
	s5 =	sshll.u32 s5, $0x10;
	s7 =	sshrl.u32 s6, $0x1  }
0x6: {  	v0 =	vlaneseq.u32;
	v3 =	vimm.f32 $1.000000000e+00;
	_ =	strace $0x80000047;
	s5 =	sor.u32 s5, s8;
	s6 =	ssub.s32 s6, s7  }
0x7: {  	v1 =	vimm.f32 $0.0e+00;
	v2 =	vimm.f32 $-5.000000000e-01;
	v3 =	vand.u32 $0x7FFFFFFF, v3;
	s8 =	simm.s32 $0x0;
	s7 =	simm.s32 $0x1;
	s6 =	smax.u32 s6, $0x1  }
.LBB2_1:
0x8: {  	s9 =	simm.s32 $0x0  }
.LBB2_2:
0x9: {  	s10 =	sshll.u32 s9, $0xE  }
0xa: {  	s10 =	sadd.s32 s5, s10  }
0xb: {  	s12 =	simm.s32 $0x0;
	s11 =	sadd.s32 s3, s10  }
0xc: {  	[tilespmem:s12], [sflag:$0x1] =	stream.linear.gather [hbm4b:s11+s12], $0x20000, $0x38;
	v63 =	vld [tilespmem:$0x0]  }
0xd: {  	_ =	swait.ge [sflag:s7], $0x20000  }
0xe: {  	s13 =	sand.u32 $0x30, s12;
	s30 =	sand.u32 $0x1FF80, s12;
	[sflag:s7] =	ssyncset.done $0x0  }
0xf: {  	s11 =	sor.u32 s13, s30;
	[sflag:s7] =	ssyncadd.s32 $0xFFFE0000  }
0x10: {  	v4 =	vld [tilespmem:s11+$0x0];
	_ =	sdelay $0x1  }
0x11: {  	v5 =	vor.u32 s13, v0  }
0x12: {  	v6 =	vmulhi.u32 $0x1C71C71D, v5;
	_ =	sdelay $0x1  }
0x13: {  	v6 =	vmul.u32 $0x9, v6;
	v7 =	vmul.f32 v4, v4  }
0x14: {  	v8 =	vand.u32 $0x7FFFFFFF, v4  }
0x15: {  	v5 =	vsub.s32 v5, v6;
	v6 =	vmul.f32 $-5.000000000e-01, v7;
	v7 =	vsub.f32 $0.0e+00, v8  }
0x16: {  	vm0 =	veq.s32 v5, $0x6  }
0x17: {  	v6 =	vsel vm0, v6, v7  }
0x18: {  	v6 =	vmul.f32 $1.442695020e+00, v6;
	_ =	sdelay $0x1  }
0x19: {  	(erf) = vpow2.f32 v6;
	_ =	sdelay $0x3  }
0x1a: {  	vm1 =	veq.s32 v5, $0x5  }
0x1b: {  	v6 =	vsel vm1, $0x3FC90FDB, v1  }
0x1c: {  	v6 =	vadd.f32 v4, v6;
	_ =	sdelay $0x1  }
0x1d: {  	v7 =	vmul.f32 $3.183098730e-01, v6  }
0x1e: {  	v9 =	vpop (erf)  }
0x1f: {  	vm8 =	vge.f32 v7, $0.0e+00;
	v10 =	vadd.f32 $1.000000000e+00, v9  }
0x20: {  	v11 =	vsel vm8, $0x3F000000, v2  }
0x21: {  	v7 =	vadd.f32 v11, v7;
	v12 =	vadd.f32 $1.000000000e+00, v10;
	_ =	sdelay $0x1  }
0x22: {  	v7 =	vtrunc.f32 v7;
	(erf) = vrcp.f32 v12  }
0x23: {  	v7 =	vcvt.f32.s32 v7;
	_ =	sdelay $0x1  }
0x24: {  	v50 =	vcvt.s32.f32 v7;
	_ =	sdelay $0x1  }
0x25: {  	v51 =	vmul.f32 $-3.140625000e+00, v50;
	_ =	sdelay $0x1  }
0x26: {  	v11 =	vmul.f32 $-9.676535840e-04, v50;
	v6 =	vadd.f32 v51, v6  }
0x27: {  	v52 =	vadd.f32 $-1.000000000e+00, v10  }
0x28: {  	v6 =	vadd.f32 v11, v6;
	v53 =	vpop (erf)  }
0x29: {  	v11 =	vmul.f32 v53, v52  }
0x2a: {  	v54 =	vmul.f32 v6, v6  }
0x2b: {  	v13 =	vmul.f32 v11, v11  }
0x2c: {  	v14 =	vmul.f32 $2.755731430e-06, v54  }
0x2d: {  	v15 =	vmul.f32 $1.428571490e-01, v13  }
0x2e: {  	v14 =	vadd.f32 $-1.984127010e-04, v14  }
0x2f: {  	v15 =	vadd.f32 $2.000000030e-01, v15  }
0x30: {  	v16 =	vmul.f32 v9, v9;
	v14 =	vmul.f32 v14, v54  }
0x31: {  	v15 =	vmul.f32 v15, v13  }
0x32: {  	v17 =	vadd.f32 $1.000000000e+00, v16;
	v14 =	vadd.f32 $8.333333770e-03, v14  }
0x33: {  	v15 =	vadd.f32 $3.333333430e-01, v15  }
0x34: {  	(erf) = vrcp.f32 v17;
	v14 =	vmul.f32 v14, v54  }
0x35: {  	(erf) = vrcp.f32 v10;
	v13 =	vmul.f32 v15, v13  }
0x36: {  	vm9 =	vlt.u32 v5, $0x6;
	v55 =	vadd.f32 $-1.666666720e-01, v14  }
0x37: {  	v56 =	vmax.f32 v4, $0.0e+00;
	v11 =	vadd.f32 v11, v11;
	v13 =	vadd.f32 $1.000000000e+00, v13  }
0x38: {  	v57 =	vand.u32 $0x80000000, v4;
	vm2 =	vlt.f32 v4, $0.0e+00;
	v10 =	vmul.f32 v55, v54  }
0x39: {  	vm3 =	vgt.f32 v4, $0.0e+00;
	v58 =	vor.u32 v57, v3;
	v11 =	vmul.f32 v13, v11  }
0x3a: {  	vm2 =	vmor vm3, vm2;
	v59 =	vsub.f32 $1.000000000e+00, v16;
	v10 =	vmul.f32 v10, v6  }
0x3b: {  	vm10 =	veq.s32 v5, $0x7;
	v12 =	vsel vm2, v58, v4;
	v11 =	vadd.f32 v11, v56  }
0x3c: {  	vm11 =	vge.f32 v4, $0.0e+00;
	v12 =	vmul.f32 v59, v12;
	v6 =	vadd.f32 v10, v6  }
0x3d: {  	v60 =	vsel vm11, $0x3F800000, v9;
	v7 =	vshll.u32 v7, $0x1F;
	v61 =	vpop (erf);
	v8 =	vsel vm10, v8, v11  }
0x3e: {  	v62 =	vpop (erf);
	v6 =	vxor.u32 v6, v7;
	v11 =	vmul.f32 v61, v12;
	v7 =	vsel vm0, v9, v8  }
0x3f: {  	vm12 =	veq.s32 v5, $0x3;
	v8 =	vmul.f32 v62, v60;
	v6 =	vsel vm9, v6, v7  }
0x40: {  	vm13 =	veq.s32 v5, $0x2;
	v6 =	vsel vm12, v11, v6  }
0x41: {  	vm14 =	veq.s32 v5, $0x1;
	v6 =	vsel vm13, v8, v6  }
0x42: {  	s31 =	simm.s32 $0x10;
	s12 =	simm.s32 $0x20;
	vm15 =	veq.s32 v5, $0x0;
	v5 =	vsel vm14, v56, v6  }
0x43: {  	s14 =	sand.u32 $0x30, s31;
	s13 =	simm.s32 $0x20;
	s15 =	sand.u32 $0x1FF80, s12;
	v4 =	vsel vm15, v4, v5  }
.LBB2_3:
0x44: {  	p0 =	sne.s32 s13, $0xFFF0;
	[tilespmem:s11+$0x0] =	vst v4;
	s11 =	sor.u32 s14, s15  }
0x45: {  	v4 =	vld [tilespmem:s11+$0x0];
	_ =	sdelay $0x1  }
0x46: {  	v5 =	vor.u32 s14, v0  }
0x47: {  	v6 =	vmulhi.u32 $0x1C71C71D, v5;
	_ =	sdelay $0x1  }
0x48: {  	v6 =	vmul.u32 $0x9, v6;
	v7 =	vmul.f32 v4, v4  }
0x49: {  	v8 =	vand.u32 $0x7FFFFFFF, v4  }
0x4a: {  	v5 =	vsub.s32 v5, v6;
	v6 =	vmul.f32 $-5.000000000e-01, v7;
	v7 =	vsub.f32 $0.0e+00, v8  }
0x4b: {  	vm0 =	veq.s32 v5, $0x6  }
0x4c: {  	v6 =	vsel vm0, v6, v7  }
0x4d: {  	v6 =	vmul.f32 $1.442695020e+00, v6;
	_ =	sdelay $0x1  }
0x4e: {  	(erf) = vpow2.f32 v6;
	_ =	sdelay $0x3  }
0x4f: {  	vm1 =	veq.s32 v5, $0x5  }
0x50: {  	v6 =	vsel vm1, $0x3FC90FDB, v1  }
0x51: {  	v6 =	vadd.f32 v4, v6;
	_ =	sdelay $0x1  }
0x52: {  	v7 =	vmul.f32 $3.183098730e-01, v6  }
0x53: {  	v9 =	vpop (erf)  }
0x54: {  	vm1 =	vge.f32 v7, $0.0e+00;
	v10 =	vadd.f32 $1.000000000e+00, v9  }
0x55: {  	v11 =	vsel vm1, $0x3F000000, v2  }
0x56: {  	v7 =	vadd.f32 v11, v7;
	v12 =	vadd.f32 $1.000000000e+00, v10;
	_ =	sdelay $0x1  }
0x57: {  	v7 =	vtrunc.f32 v7;
	(erf) = vrcp.f32 v12  }
0x58: {  	v7 =	vcvt.f32.s32 v7;
	_ =	sdelay $0x1  }
0x59: {  	v11 =	vcvt.s32.f32 v7;
	_ =	sdelay $0x1  }
0x5a: {  	v12 =	vmul.f32 $-3.140625000e+00, v11;
	_ =	sdelay $0x1  }
0x5b: {  	v13 =	vmul.f32 $-9.676535840e-04, v11;
	v6 =	vadd.f32 v12, v6  }
0x5c: {  	v12 =	vadd.f32 $-1.000000000e+00, v10  }
0x5d: {  	v6 =	vadd.f32 v13, v6;
	v11 =	vpop (erf)  }
0x5e: {  	v11 =	vmul.f32 v11, v12  }
0x5f: {  	v12 =	vmul.f32 v6, v6  }
0x60: {  	v13 =	vmul.f32 v11, v11  }
0x61: {  	v14 =	vmul.f32 $2.755731430e-06, v12  }
0x62: {  	v15 =	vmul.f32 $1.428571490e-01, v13  }
0x63: {  	v14 =	vadd.f32 $-1.984127010e-04, v14  }
0x64: {  	v15 =	vadd.f32 $2.000000030e-01, v15  }
0x65: {  	v16 =	vmul.f32 v9, v9;
	v14 =	vmul.f32 v14, v12  }
0x66: {  	v15 =	vmul.f32 v15, v13  }
0x67: {  	v17 =	vadd.f32 $1.000000000e+00, v16;
	v14 =	vadd.f32 $8.333333770e-03, v14  }
0x68: {  	v15 =	vadd.f32 $3.333333430e-01, v15  }
0x69: {  	v14 =	vmul.f32 v14, v12;
	(erf) = vrcp.f32 v17  }
0x6a: {  	v13 =	vmul.f32 v15, v13;
	(erf) = vrcp.f32 v10  }
0x6b: {  	vm1 =	vlt.u32 v5, $0x6;
	v10 =	vadd.f32 $-1.666666720e-01, v14  }
0x6c: {  	v11 =	vadd.f32 v11, v11;
	v14 =	vmax.f32 v4, $0.0e+00;
	v13 =	vadd.f32 $1.000000000e+00, v13  }
0x6d: {  	vm2 =	vlt.f32 v4, $0.0e+00;
	v15 =	vand.u32 $0x80000000, v4;
	v10 =	vmul.f32 v10, v12  }
0x6e: {  	vm3 =	vgt.f32 v4, $0.0e+00;
	v12 =	vor.u32 v15, v3;
	v11 =	vmul.f32 v13, v11  }
0x6f: {  	vm2 =	vmor vm3, vm2;
	v13 =	vsub.f32 $1.000000000e+00, v16;
	v10 =	vmul.f32 v10, v6  }
0x70: {  	v12 =	vsel vm2, v12, v4;
	vm2 =	veq.s32 v5, $0x7;
	v15 =	vadd.f32 v11, v14  }
0x71: {  	vm3 =	vge.f32 v4, $0.0e+00;
	v12 =	vmul.f32 v13, v12;
	v6 =	vadd.f32 v10, v6  }
0x72: {  	v7 =	vshll.u32 v7, $0x1F;
	v10 =	vsel vm3, $0x3F800000, v9;
	v13 =	vsel vm2, v8, v15;
	v11 =	vpop (erf)  }
0x73: {  	v6 =	vxor.u32 v6, v7;
	v11 =	vmul.f32 v11, v12;
	v7 =	vsel vm0, v9, v13;
	v8 =	vpop (erf)  }
.Ltmp0:
0x74: {  	vm0 =	veq.s32 v5, $0x3;
	v8 =	vmul.f32 v8, v10;
	v6 =	vsel vm1, v6, v7;
	(pc) =	sbr.rel @p0 .LBB2_3-.Ltmp0, $4  }
0x75: {  	vm1 =	veq.s32 v5, $0x2;
	v6 =	vsel vm0, v11, v6  }
0x76: {  	vm0 =	veq.s32 v5, $0x1;
	v6 =	vsel vm1, v8, v6  }
0x77: {  	s12 =	sadd.s32 $0x20, s12;
	vm1 =	veq.s32 v5, $0x0;
	v5 =	vsel vm0, v14, v6  }
0x78: {  	s14 =	sand.u32 $0x30, s13;
	s13 =	sadd.s32 $0x10, s13;
	s15 =	sand.u32 $0x1FF80, s12;
	v4 =	vsel vm1, v4, v5  }
0x79: {  	s12 =	sor.u32 s14, s15;
	[tilespmem:s11+$0x0] =	vst v4  }
0x7a: {  	v4 =	vld [tilespmem:s12+$0x0];
	_ =	sdelay $0x1  }
0x7b: {  	v5 =	vor.u32 s14, v0  }
0x7c: {  	v6 =	vmulhi.u32 $0x1C71C71D, v5;
	_ =	sdelay $0x1  }
0x7d: {  	v6 =	vmul.u32 $0x9, v6;
	v7 =	vmul.f32 v4, v4  }
0x7e: {  	v8 =	vand.u32 $0x7FFFFFFF, v4  }
0x7f: {  	v5 =	vsub.s32 v5, v6;
	v46 =	vsub.f32 $0.0e+00, v8;
	v45 =	vmul.f32 $-5.000000000e-01, v7  }
0x80: {  	vm0 =	veq.s32 v5, $0x6  }
0x81: {  	v6 =	vsel vm0, v45, v46  }
0x82: {  	v6 =	vmul.f32 $1.442695020e+00, v6;
	_ =	sdelay $0x1  }
0x83: {  	(erf) = vpow2.f32 v6;
	_ =	sdelay $0x3  }
0x84: {  	vm1 =	veq.s32 v5, $0x5  }
0x85: {  	v47 =	vsel vm1, $0x3FC90FDB, v1  }
0x86: {  	v6 =	vadd.f32 v4, v47;
	_ =	sdelay $0x1  }
0x87: {  	v48 =	vmul.f32 $3.183098730e-01, v6  }
0x88: {  	v9 =	vpop (erf)  }
0x89: {  	vm8 =	vge.f32 v48, $0.0e+00;
	v10 =	vadd.f32 $1.000000000e+00, v9  }
0x8a: {  	v11 =	vsel vm8, $0x3F000000, v2  }
0x8b: {  	v7 =	vadd.f32 v11, v48;
	v12 =	vadd.f32 $1.000000000e+00, v10;
	_ =	sdelay $0x1  }
0x8c: {  	v7 =	vtrunc.f32 v7;
	(erf) = vrcp.f32 v12  }
0x8d: {  	v7 =	vcvt.f32.s32 v7;
	_ =	sdelay $0x1  }
0x8e: {  	v49 =	vcvt.s32.f32 v7;
	_ =	sdelay $0x1  }
0x8f: {  	v50 =	vmul.f32 $-3.140625000e+00, v49;
	_ =	sdelay $0x1  }
0x90: {  	v11 =	vmul.f32 $-9.676535840e-04, v49;
	v6 =	vadd.f32 v50, v6  }
0x91: {  	v51 =	vadd.f32 $-1.000000000e+00, v10  }
0x92: {  	v6 =	vadd.f32 v11, v6;
	v52 =	vpop (erf)  }
0x93: {  	v11 =	vmul.f32 v52, v51  }
0x94: {  	v53 =	vmul.f32 v6, v6  }
0x95: {  	v13 =	vmul.f32 v11, v11  }
0x96: {  	v14 =	vmul.f32 $2.755731430e-06, v53  }
0x97: {  	v15 =	vmul.f32 $1.428571490e-01, v13  }
0x98: {  	v14 =	vadd.f32 $-1.984127010e-04, v14  }
0x99: {  	v15 =	vadd.f32 $2.000000030e-01, v15  }
0x9a: {  	v16 =	vmul.f32 v9, v9;
	v14 =	vmul.f32 v14, v53  }
0x9b: {  	v15 =	vmul.f32 v15, v13  }
0x9c: {  	v17 =	vadd.f32 $1.000000000e+00, v16;
	v14 =	vadd.f32 $8.333333770e-03, v14  }
0x9d: {  	v15 =	vadd.f32 $3.333333430e-01, v15  }
0x9e: {  	(erf) = vrcp.f32 v17;
	v14 =	vmul.f32 v14, v53  }
0x9f: {  	(erf) = vrcp.f32 v10;
	v13 =	vmul.f32 v15, v13  }
0xa0: {  	vm9 =	vlt.u32 v5, $0x6;
	v54 =	vadd.f32 $-1.666666720e-01, v14  }
0xa1: {  	v55 =	vmax.f32 v4, $0.0e+00;
	v11 =	vadd.f32 v11, v11;
	v13 =	vadd.f32 $1.000000000e+00, v13  }
0xa2: {  	v56 =	vand.u32 $0x80000000, v4;
	vm2 =	vlt.f32 v4, $0.0e+00;
	v10 =	vmul.f32 v54, v53  }
0xa3: {  	vm3 =	vgt.f32 v4, $0.0e+00;
	v57 =	vor.u32 v56, v3;
	v11 =	vmul.f32 v13, v11  }
0xa4: {  	vm2 =	vmor vm3, vm2;
	v58 =	vsub.f32 $1.000000000e+00, v16;
	v10 =	vmul.f32 v10, v6  }
0xa5: {  	vm10 =	veq.s32 v5, $0x7;
	v12 =	vsel vm2, v57, v4;
	v11 =	vadd.f32 v11, v55  }
0xa6: {  	vm11 =	vge.f32 v4, $0.0e+00;
	v12 =	vmul.f32 v58, v12;
	v6 =	vadd.f32 v10, v6  }
0xa7: {  	v59 =	vsel vm11, $0x3F800000, v9;
	v7 =	vshll.u32 v7, $0x1F;
	v60 =	vpop (erf);
	v8 =	vsel vm10, v8, v11  }
0xa8: {  	v62 =	vpop (erf);
	v6 =	vxor.u32 v6, v7;
	v11 =	vmul.f32 v60, v12;
	v61 =	vsel vm0, v9, v8  }
0xa9: {  	vm12 =	veq.s32 v5, $0x3;
	v8 =	vmul.f32 v62, v59;
	v6 =	vsel vm9, v6, v61  }
0xaa: {  	vm13 =	veq.s32 v5, $0x2;
	v6 =	vsel vm12, v11, v6  }
0xab: {  	vm14 =	veq.s32 v5, $0x1;
	v6 =	vsel vm13, v8, v6  }
0xac: {  	s9 =	sadd.s32 $0x1, s9;
	vm15 =	veq.s32 v5, $0x0;
	v5 =	vsel vm14, v55, v6  }
0xad: {  	p0 =	sne.s32 s9, $0x4;
	v4 =	vsel vm15, v4, v5  }
.Ltmp1:
0xae: {  	s10 =	sadd.s32 s4, s10;
	[tilespmem:s12+$0x0] =	vst v4;
	(pc) =	sbr.rel @p0 .LBB2_2-.Ltmp1, $4  }
0xaf: {  	[hbm4b:s10+s1] =	stream.linear.scatter [tilespmem:s1], [sflag:$0x1], $0x20000, $0x38;
	v63 =	vld [tilespmem:$0x0]  }
0xb0: {  	_ =	swait.ge [sflag:s7], $0x20000  }
0xb1: {  	[sflag:s7] =	ssyncset.done $0x0  }
0xb2: {  	[sflag:s7] =	ssyncadd.s32 $0xFFFE0000  }
0xb3: {  	s8 =	sadd.s32 $0x1, s8  }
0xb4: {  	p0 =	sne.s32 s8, s6  }
.Ltmp2:
0xb5: {  	_ = 	snop;
	(pc) =	sbr.rel @p0 .LBB2_1-.Ltmp2, $1  }
0xb6: {  	_ =	sdelay $0x3  }
0xb7: {  	_ =	sfence.sel $0x180000  }
0xb8: {  	[bflag:$0x0] =	sbarrier.arrive $0xFFFF  }
0xb9: {  	p0 =	sne.s32 s2, $0x0;
	_ =	strace $0x90000047  }
0xba: {  	s0 =	sadd.s32 @!p0 $0x100000, s0;
	[bflag:$0x2] =	sbarrier.arrive $0xFFFF  }
0xbb: {  	[sflag:s0] =	ssyncadd.tile.s32 @!p0 $0x1;
	_ =	shalt  }
.Lfunc_end2:
_tile_overlayer_lowered:
.L_overlay_start_2:
0xbc: {  	(tag) =	ssettag $0x2  }
0xbd: {  	s0 =	rddreg [dreg:$0x0];
	s2 =	stileid.u32  }
0xbe: {  	s1 =	rddreg [dreg:$0x1];
	p0 =	sne.s32 s2, $0x0  }
0xbf: {  	s3 =	rddreg [dreg:$0x2];
	[bflag:$0x3] =	sbarrier.arrive $0xFFFF;
	s2 =	simm.s32 @!p0 $0x1C01  }
0xc0: {  	[timem:s3], [sflag:s2] =	dma.local @!p0 [hbm:s0], s1  }
0xc1: {  	s0 =	simm.s32 @!p0 $0x1  }
0xc2: {  	_ =	swait.ge @!p0 [sflag:s0], s1  }
0xc3: {  	s1 =	ssub.s32 @!p0 $0x0, s1;
	[sflag:s0] =	ssyncset.done @!p0 $0x0  }
0xc4: {  	[sflag:s0] =	ssyncadd.s32 @!p0 s1  }
0xc5: {  	[bflag:$0x3] =	sbarrier.arrive $0xFFFF  }
0xc6: {  	_ =	shalt  }

</sc_bundles>
